<compile_context>
chip_gen: v7x
topology: tpu7x:2x2x1
jax: 0.10.2.dev20260603
libtpu: 0.0.44.dev20260713+nightly
codegen_flags: <defaults>
</compile_context>

<pallas_src>
import functools

import jax
import jax.numpy as jnp
import numpy as np
from jax.experimental import pallas as pl

_B = 4
_N = 8192
_NPOINT = 1024
_RADIUS = 0.2
_NSAMPLE = 32
_IN_CH = 64

_M = _B * _NPOINT * _NSAMPLE
_BLK = 1024
_C = 128
_GRID = _M // _BLK


def _sqdist(src, dst):
    d = -2.0 * jnp.matmul(src, jnp.swapaxes(dst, 1, 2))
    d = d + jnp.sum(src ** 2, -1)[:, :, None]
    d = d + jnp.sum(dst ** 2, -1)[:, None, :]
    return d


def _gather_pts(points, idx):
    return jax.vmap(lambda p, i: p[i])(points, idx)


def _fps_kernel(x_ref, o_ref):
    x = x_ref[...]
    iota_n = jax.lax.broadcasted_iota(jnp.int32, (1, _N), 1)
    iota_p = jax.lax.broadcasted_iota(jnp.int32, (1, _NPOINT), 1)

    def body(i, carry):
        dist, far, cent = carry
        cent = jnp.where(iota_p == i, far, cent)
        mask = (iota_n == far).astype(jnp.float32)
        cen = jnp.sum(x * mask, axis=1, keepdims=True)
        d = jnp.sum((x - cen) ** 2, axis=0, keepdims=True)
        dist = jnp.minimum(dist, d)
        m = jnp.max(dist)
        far = jnp.min(jnp.where(dist == m, iota_n, _N)).astype(jnp.int32)
        return dist, far, cent

    carry = (jnp.full((1, _N), 1e10, jnp.float32),
             jnp.int32(0),
             jnp.zeros((1, _NPOINT), jnp.int32))
    _, _, cent = jax.lax.fori_loop(0, _NPOINT, body, carry)
    o_ref[...] = jnp.broadcast_to(cent, (8, _NPOINT))


def _fps(xyz, npoint):
    b, n, _ = xyz.shape
    xt = jnp.zeros((b, 8, n), jnp.float32).at[:, :3, :].set(
        jnp.transpose(xyz, (0, 2, 1))).reshape(b * 8, n)
    cent = pl.pallas_call(
        _fps_kernel,
        grid=(b,),
        in_specs=[pl.BlockSpec((8, n), lambda i: (i, 0))],
        out_specs=pl.BlockSpec((8, npoint), lambda i: (i, 0)),
        out_shape=jax.ShapeDtypeStruct((b * 8, npoint), jnp.int32),
    )(xt)
    return cent.reshape(b, 8, npoint)[:, 0, :]


def _ball_query(radius, nsample, xyz, new_xyz):
    b, n, _ = xyz.shape
    s = new_xyz.shape[1]
    sqr = _sqdist(new_xyz, xyz)
    gidx = jnp.broadcast_to(jnp.arange(n, dtype=jnp.int32), (b, s, n))
    gidx = jnp.where(sqr > radius ** 2, n, gidx)
    gidx = jnp.sort(gidx, axis=-1)[:, :, :nsample]
    first = gidx[:, :, :1]
    first = jnp.where(first == n, 0, first)
    gidx = jnp.where(gidx == n, jnp.broadcast_to(first, gidx.shape), gidx)
    return gidx


def _mm_stats_kernel(x_ref, w_ref, y_ref, stats_ref):
    y = jnp.dot(x_ref[...], w_ref[...], preferred_element_type=jnp.float32)
    y_ref[...] = y

    @pl.when(pl.program_id(0) == 0)
    def _():
        stats_ref[...] = jnp.zeros_like(stats_ref)

    s1 = jnp.sum(y, axis=0, keepdims=True)
    s2 = jnp.sum(y * y, axis=0, keepdims=True)
    pad = jnp.zeros((6, _C), jnp.float32)
    stats_ref[...] += jnp.concatenate([s1, s2, pad], axis=0)


def _affine_mm_stats_kernel(x_ref, aff_ref, w_ref, y_ref, stats_ref):
    aff = aff_ref[...]
    x = jnp.maximum(x_ref[...] * aff[0:1, :] + aff[1:2, :], 0.0)
    y = jnp.dot(x, w_ref[...], preferred_element_type=jnp.float32)
    y_ref[...] = y

    @pl.when(pl.program_id(0) == 0)
    def _():
        stats_ref[...] = jnp.zeros_like(stats_ref)

    s1 = jnp.sum(y, axis=0, keepdims=True)
    s2 = jnp.sum(y * y, axis=0, keepdims=True)
    pad = jnp.zeros((6, _C), jnp.float32)
    stats_ref[...] += jnp.concatenate([s1, s2, pad], axis=0)


def _affine_maxpool_kernel(x_ref, aff_ref, o_ref):
    aff = aff_ref[...]
    x = jnp.maximum(x_ref[...] * aff[0:1, :] + aff[1:2, :], 0.0)
    x = x.reshape(_BLK // _NSAMPLE, _NSAMPLE, _C)
    o_ref[...] = jnp.max(x, axis=1)


def _affine_from_stats(stats, g, b):
    mean = stats[0] / _M
    var = stats[1] / _M - mean * mean
    scale = g / jnp.sqrt(var + 1e-5)
    shift = b - mean * scale
    return jnp.concatenate([scale[None, :], shift[None, :],
                            jnp.zeros((6, _C), jnp.float32)], axis=0)


def _pad_w(W):
    o, i = W.shape
    Wt = jnp.zeros((_C, _C), jnp.float32).at[:i, :o].set(W.T)
    return Wt


def _pad_vec(v):
    return jnp.zeros((_C,), jnp.float32).at[: v.shape[0]].set(v)


@functools.partial(jax.jit)
def kernel(xyz, points, W0, g0, b0, W1, g1, b1, W2, g2, b2):
    idx = _fps(jax.lax.stop_gradient(xyz), _NPOINT)
    new_xyz = _gather_pts(xyz, idx)
    gidx = _ball_query(_RADIUS, _NSAMPLE, jax.lax.stop_gradient(xyz),
                       jax.lax.stop_gradient(new_xyz))
    grouped_xyz = _gather_pts(xyz, gidx) - new_xyz[:, :, None, :]
    grouped_pts = _gather_pts(jnp.transpose(points, (0, 2, 1)), gidx)
    feats = jnp.concatenate([grouped_xyz, grouped_pts], axis=-1)
    x0 = feats.reshape(_M, _IN_CH + 3)
    x0 = jnp.pad(x0, ((0, 0), (0, _C - (_IN_CH + 3))))

    w0 = _pad_w(W0)
    w1 = _pad_w(W1)
    w2 = _pad_w(W2)

    row_spec = pl.BlockSpec((_BLK, _C), lambda i: (i, 0))
    full_spec = pl.BlockSpec((8, _C), lambda i: (0, 0))
    w_spec = pl.BlockSpec((_C, _C), lambda i: (0, 0))

    y0, st0 = pl.pallas_call(
        _mm_stats_kernel,
        grid=(_GRID,),
        in_specs=[row_spec, w_spec],
        out_specs=[row_spec, full_spec],
        out_shape=[jax.ShapeDtypeStruct((_M, _C), jnp.float32),
                   jax.ShapeDtypeStruct((8, _C), jnp.float32)],
    )(x0, w0)
    aff0 = _affine_from_stats(st0, _pad_vec(g0), _pad_vec(b0))

    y1, st1 = pl.pallas_call(
        _affine_mm_stats_kernel,
        grid=(_GRID,),
        in_specs=[row_spec, full_spec, w_spec],
        out_specs=[row_spec, full_spec],
        out_shape=[jax.ShapeDtypeStruct((_M, _C), jnp.float32),
                   jax.ShapeDtypeStruct((8, _C), jnp.float32)],
    )(y0, aff0, w1)
    aff1 = _affine_from_stats(st1, _pad_vec(g1), _pad_vec(b1))

    y2, st2 = pl.pallas_call(
        _affine_mm_stats_kernel,
        grid=(_GRID,),
        in_specs=[row_spec, full_spec, w_spec],
        out_specs=[row_spec, full_spec],
        out_shape=[jax.ShapeDtypeStruct((_M, _C), jnp.float32),
                   jax.ShapeDtypeStruct((8, _C), jnp.float32)],
    )(y1, aff1, w2)
    aff2 = _affine_from_stats(st2, _pad_vec(g2), _pad_vec(b2))

    pooled = pl.pallas_call(
        _affine_maxpool_kernel,
        grid=(_GRID,),
        in_specs=[row_spec, full_spec],
        out_specs=pl.BlockSpec((_BLK // _NSAMPLE, _C), lambda i: (i, 0)),
        out_shape=jax.ShapeDtypeStruct((_M // _NSAMPLE, _C), jnp.float32),
    )(y2, aff2)

    out = pooled.reshape(_B, _NPOINT, _C)
    return (new_xyz, jnp.transpose(out, (0, 2, 1)))

# --- scband reference (transcript-rebuilt; emitter-appended) ---
"""Pipeline reference for scband-point-net-set-abstraction-66838281060813 (READ-ONLY COPY).

The authoritative reference and input builder live on the scoring server;
editing this copy changes nothing except your own understanding.
"""

import jax, jax.numpy as jnp
import numpy as np

B = 4
N = 8192
NPOINT = 1024
RADIUS = 0.2
NSAMPLE = 32
IN_CH = 64
MLP = (64, 64, 128)


def setup_inputs(seed: int = 0):
    key = jax.random.key(seed)
    k1, k2, k3, k4, k5 = jax.random.split(key, 5)
    xyz = jax.random.uniform(k1, (B, N, 3), dtype=jnp.float32)
    points = jax.random.normal(k2, (B, IN_CH, N), dtype=jnp.float32)
    inp = {"xyz": xyz, "points": points}
    ks = [k3, k4, k5]
    last = IN_CH + 3
    for i, out in enumerate(MLP):
        inp[f"W{i}"] = jax.random.normal(ks[i], (out, last), dtype=jnp.float32) / np.sqrt(last)
        inp[f"g{i}"] = jnp.ones((out,), jnp.float32)
        inp[f"b{i}"] = jnp.zeros((out,), jnp.float32)
        last = out
    return inp


def square_distance(src, dst):
    d = -2.0 * jnp.matmul(src, jnp.swapaxes(dst, 1, 2))
    d = d + jnp.sum(src ** 2, -1)[:, :, None]
    d = d + jnp.sum(dst ** 2, -1)[:, None, :]
    return d


def index_points(points, idx):
    return jax.vmap(lambda p, i: p[i])(points, idx)


def farthest_point_sampling(xyz, npoint):
    b, n, _ = xyz.shape

    def body(i, state):
        distance, farthest, centroids = state
        centroids = centroids.at[:, i].set(farthest)
        cen = jnp.take_along_axis(xyz, jnp.broadcast_to(farthest[:, None, None], (b, 1, 3)), axis=1)
        d = jnp.sum((xyz - cen) ** 2, -1)
        distance = jnp.minimum(distance, d)
        farthest = jnp.argmax(distance, -1).astype(jnp.int32)
        return (distance, farthest, centroids)

    state = (jnp.full((b, n), 1e10, jnp.float32),
             jnp.zeros((b,), jnp.int32),
             jnp.zeros((b, npoint), jnp.int32))
    state = jax.lax.fori_loop(0, npoint, body, state)
    return state[2]


def query_ball_point(radius, nsample, xyz, new_xyz):
    b, n, _ = xyz.shape
    s = new_xyz.shape[1]
    sqr = square_distance(new_xyz, xyz)
    gidx = jnp.broadcast_to(jnp.arange(n, dtype=jnp.int32), (b, s, n))
    gidx = jnp.where(sqr > radius ** 2, n, gidx)
    gidx = jnp.sort(gidx, axis=-1)[:, :, :nsample]
    first = gidx[:, :, :1]
    first = jnp.where(first == n, 0, first)
    gidx = jnp.where(gidx == n, jnp.broadcast_to(first, gidx.shape), gidx)
    return gidx


def reference(xyz, points, W0, g0, b0, W1, g1, b1, W2, g2, b2):
    idx = farthest_point_sampling(jax.lax.stop_gradient(xyz), NPOINT)
    new_xyz = index_points(xyz, idx)
    gidx = query_ball_point(RADIUS, NSAMPLE, jax.lax.stop_gradient(xyz), jax.lax.stop_gradient(new_xyz))
    grouped_xyz = index_points(xyz, gidx) - new_xyz[:, :, None, :]
    grouped_pts = index_points(jnp.transpose(points, (0, 2, 1)), gidx)
    feats = jnp.concatenate([grouped_xyz, grouped_pts], axis=-1)
    for W, g, bb in ((W0, g0, b0), (W1, g1, b1), (W2, g2, b2)):
        feats = jnp.einsum('bski,oi->bsko', feats, W)
        mean = jnp.mean(feats, axis=(0, 1, 2))
        var = jnp.var(feats, axis=(0, 1, 2))
        feats = (feats - mean) / jnp.sqrt(var + 1e-5) * g + bb
        feats = jnp.maximum(feats, 0.0)
    feats = jnp.max(feats, axis=2)
    return (new_xyz, jnp.transpose(feats, (0, 2, 1)))

if __name__ == "__main__":
    import jax
    _d = setup_inputs()
    print(jax.jit(kernel)(*tuple(_d.values())))

</pallas_src>

<mosaic_0001>
module attributes {stable_mosaic.version = 14 : i64} {
  func.func @_fps_kernel(%arg0: i32, %arg1: memref<8x8192xf32, #tpu.memory_space<vmem>>, %arg2: memref<8x1024xi32, #tpu.memory_space<vmem>>) attributes {dimension_semantics = [#tpu.dimension_semantics<arbitrary>], iteration_bounds = array<i64: 4>, scalar_prefetch = 0 : i64, scratch_operands = 0 : i64, tpu.core_type = #tpu.core_type<tc>, window_params = [{transform_indices = @transform_0, window_bounds = array<i64: 8, 8192>}, {transform_indices = @transform_1, window_bounds = array<i64: 8, 1024>}]} {
    %get3A = arith.constant 0 : index
    %get3A_0 = arith.constant 0 : index
    %get3A_1 = vector.load %arg1[%get3A, %get3A_0] : memref<8x8192xf32, #tpu.memory_space<vmem>>, vector<8x8192xf32>
    %iota3A = tpu.iota {dimensions = array<i32: 1>} : vector<1x8192xi32>
    %iota3A_2 = tpu.iota {dimensions = array<i32: 1>} : vector<1x1024xi32>
    %broadcast_in_dim3A = arith.constant 1.000000e+10 : f32
    %broadcast_in_dim3A_3 = vector.broadcast %broadcast_in_dim3A : f32 to vector<1x8192xf32>
    %broadcast_in_dim3A_4 = arith.constant 0 : i32
    %broadcast_in_dim3A_5 = vector.broadcast %broadcast_in_dim3A_4 : i32 to vector<1x1024xi32>
    %scan3A = arith.constant 0 : i32
    %scan3A_6 = arith.constant 0 : i32
    %scan3A_7 = arith.constant 1024 : i32
    %scan3A_8 = arith.addi %scan3A_6, %scan3A_7 : i32
    %scan3A_9 = arith.constant 1 : i32
    %scan3A_10:3 = scf.for %scan3A_16 = %scan3A_6 to %scan3A_8 step %scan3A_9 iter_args(%scan3A_17 = %broadcast_in_dim3A_3, %scan3A_18 = %scan3A, %scan3A_19 = %broadcast_in_dim3A_5) -> (vector<1x8192xf32>, i32, vector<1x1024xi32>)  : i32 {
      %eq3A = vector.broadcast %scan3A_16 : i32 to vector<1x1024xi32>
      %eq3A_20 = arith.cmpi eq, %iota3A_2, %eq3A : vector<1x1024xi32>
      %broadcast_in_dim3A_21 = vector.broadcast %scan3A_18 : i32 to vector<1x1024xi32>
      %select_n3A = arith.select %eq3A_20, %broadcast_in_dim3A_21, %scan3A_19 : vector<1x1024xi1>, vector<1x1024xi32>
      %eq3A_22 = vector.broadcast %scan3A_18 : i32 to vector<1x8192xi32>
      %eq3A_23 = arith.cmpi eq, %iota3A, %eq3A_22 : vector<1x8192xi32>
      %convert_element_type3A = arith.extui %eq3A_23 : vector<1x8192xi1> to vector<1x8192xi32>
      %convert_element_type3A_24 = arith.sitofp %convert_element_type3A : vector<1x8192xi32> to vector<1x8192xf32>
      %mul3A = vector.broadcast %convert_element_type3A_24 : vector<1x8192xf32> to vector<8x8192xf32>
      %mul3A_25 = arith.mulf %get3A_1, %mul3A : vector<8x8192xf32>
      %reduce_sum3A = arith.constant dense<0.000000e+00> : vector<8xf32>
      %reduce_sum3A_26 = vector.multi_reduction <add>, %mul3A_25, %reduce_sum3A [1] : vector<8x8192xf32> to vector<8xf32>
      %broadcast_in_dim3A_27 = vector.shape_cast %reduce_sum3A_26 : vector<8xf32> to vector<8x1xf32>
      %sub3A = vector.broadcast %broadcast_in_dim3A_27 : vector<8x1xf32> to vector<8x8192xf32>
      %sub3A_28 = arith.subf %get3A_1, %sub3A : vector<8x8192xf32>
      %integer_pow3A = arith.mulf %sub3A_28, %sub3A_28 : vector<8x8192xf32>
      %reduce_sum3A_29 = arith.constant dense<0.000000e+00> : vector<8192xf32>
      %reduce_sum3A_30 = vector.multi_reduction <add>, %integer_pow3A, %reduce_sum3A_29 [0] : vector<8x8192xf32> to vector<8192xf32>
      %broadcast_in_dim3A_31 = vector.shape_cast %reduce_sum3A_30 : vector<8192xf32> to vector<1x8192xf32>
      %min3A = arith.minimumf %scan3A_17, %broadcast_in_dim3A_31 : vector<1x8192xf32>
      %reduce_max3A = vector.shape_cast %min3A : vector<1x8192xf32> to vector<1x1x8192xf32>
      %reduce_max3A_32 = arith.constant dense<0xFF800000> : vector<1xf32>
      %reduce_max3A_33 = vector.multi_reduction <maximumf>, %reduce_max3A, %reduce_max3A_32 [1, 2] : vector<1x1x8192xf32> to vector<1xf32>
      %reduce_max3A_34 = vector.shape_cast %reduce_max3A_33 : vector<1xf32> to vector<1x1x1xf32>
      %reduce_max3A_35 = vector.extract %reduce_max3A_34[0, 0, 0] : f32 from vector<1x1x1xf32>
      %eq3A_36 = vector.broadcast %reduce_max3A_35 : f32 to vector<1x8192xf32>
      %eq3A_37 = arith.cmpf oeq, %min3A, %eq3A_36 : vector<1x8192xf32>
      %jit3A = arith.constant 8192 : i32
      %broadcast_in_dim3A_38 = vector.broadcast %jit3A : i32 to vector<1x8192xi32>
      %select_n3A_39 = arith.select %eq3A_37, %iota3A, %broadcast_in_dim3A_38 : vector<1x8192xi1>, vector<1x8192xi32>
      %reduce_min3A = vector.shape_cast %select_n3A_39 : vector<1x8192xi32> to vector<1x1x8192xi32>
      %reduce_min3A_40 = arith.constant dense<2147483647> : vector<1xi32>
      %reduce_min3A_41 = vector.multi_reduction <minsi>, %reduce_min3A, %reduce_min3A_40 [1, 2] : vector<1x1x8192xi32> to vector<1xi32>
      %reduce_min3A_42 = vector.shape_cast %reduce_min3A_41 : vector<1xi32> to vector<1x1x1xi32>
      %reduce_min3A_43 = vector.extract %reduce_min3A_42[0, 0, 0] : i32 from vector<1x1x1xi32>
      scf.yield %min3A, %reduce_min3A_43, %select_n3A : vector<1x8192xf32>, i32, vector<1x1024xi32>
    }
    %scan3A_11 = arith.constant 1024 : i32
    %broadcast_in_dim3A_12 = vector.shape_cast %scan3A_10#2 : vector<1x1024xi32> to vector<1x1024xi32>
    %broadcast_in_dim3A_13 = vector.broadcast %broadcast_in_dim3A_12 : vector<1x1024xi32> to vector<8x1024xi32>
    %swap3A = arith.constant 0 : index
    %swap3A_14 = arith.constant 0 : index
    %swap3A_15 = vector.load %arg2[%swap3A, %swap3A_14] : memref<8x1024xi32, #tpu.memory_space<vmem>>, vector<8x1024xi32>
    tpu.vector_store %arg2[%swap3A, %swap3A_14], %broadcast_in_dim3A_13 {strides = array<i32>} : memref<8x1024xi32, #tpu.memory_space<vmem>>, vector<8x1024xi32>,
    return
  }
  func.func @transform_0(%arg0: i32) -> (i32, i32) {
    %c0_i32 = arith.constant 0 : i32
    %c0_i32_0 = arith.constant 0 : i32
    return %arg0, %c0_i32 : i32, i32
  }
  func.func @transform_1(%arg0: i32) -> (i32, i32) {
    %c0_i32 = arith.constant 0 : i32
    %c0_i32_0 = arith.constant 0 : i32
    return %arg0, %c0_i32 : i32, i32
  }
}

module attributes {stable_mosaic.version = 14 : i64} {
  func.func @_mm_stats_kernel(%arg0: i32, %arg1: memref<1024x128xf32, #tpu.memory_space<vmem>>, %arg2: memref<128x128xf32, #tpu.memory_space<vmem>>, %arg3: memref<1024x128xf32, #tpu.memory_space<vmem>>, %arg4: memref<8x128xf32, #tpu.memory_space<vmem>>) attributes {dimension_semantics = [#tpu.dimension_semantics<arbitrary>], iteration_bounds = array<i64: 128>, scalar_prefetch = 0 : i64, scratch_operands = 0 : i64, tpu.core_type = #tpu.core_type<tc>, window_params = [{transform_indices = @transform_0, window_bounds = array<i64: 1024, 128>}, {pipeline_mode = #tpu.pipeline_mode<synchronous>, transform_indices = @transform_1, window_bounds = array<i64: 128, 128>}, {transform_indices = @transform_2, window_bounds = array<i64: 1024, 128>}, {pipeline_mode = #tpu.pipeline_mode<synchronous>, transform_indices = @transform_3, window_bounds = array<i64: 8, 128>}]} {
    %get3A = arith.constant 0 : index
    %get3A_0 = arith.constant 0 : index
    %get3A_1 = vector.load %arg1[%get3A, %get3A_0] : memref<1024x128xf32, #tpu.memory_space<vmem>>, vector<1024x128xf32>
    %get3A_2 = arith.constant 0 : index
    %get3A_3 = arith.constant 0 : index
    %get3A_4 = vector.load %arg2[%get3A_2, %get3A_3] : memref<128x128xf32, #tpu.memory_space<vmem>>, vector<128x128xf32>
    %dot_general3A = arith.constant dense<0.000000e+00> : vector<1024x128xf32>
    %dot_general3A_5 = tpu.matmul %get3A_1, %get3A_4, %dot_general3A {dimension_numbers = #tpu.dot_dimension_numbers<[1], [0], [0], [1], [0, 0, 1, 1], [], []>, transpose_lhs_hint = false} : vector<1024x128xf32>, vector<128x128xf32>, vector<1024x128xf32> -> vector<1024x128xf32>
    %swap3A = arith.constant 0 : index
    %swap3A_6 = arith.constant 0 : index
    %swap3A_7 = vector.load %arg3[%swap3A, %swap3A_6] : memref<1024x128xf32, #tpu.memory_space<vmem>>, vector<1024x128xf32>
    tpu.vector_store %arg3[%swap3A, %swap3A_6], %dot_general3A_5 {strides = array<i32>} : memref<1024x128xf32, #tpu.memory_space<vmem>>, vector<1024x128xf32>,
    %eq3A = arith.constant 0 : i32
    %eq3A_8 = arith.cmpi eq, %arg0, %eq3A : i32
    %convert_element_type3A = arith.extui %eq3A_8 : i1 to i32
    %cond3A = arith.constant 0 : i32
    %cond3A_9 = arith.cmpi ne, %convert_element_type3A, %cond3A : i32
    scf.if %cond3A_9 {
      %broadcast_in_dim3A_22 = arith.constant 0.000000e+00 : f32
      %broadcast_in_dim3A_23 = vector.broadcast %broadcast_in_dim3A_22 : f32 to vector<8x128xf32>
      %swap3A_24 = arith.constant 0 : index
      %swap3A_25 = arith.constant 0 : index
      %swap3A_26 = vector.load %arg4[%swap3A_24, %swap3A_25] : memref<8x128xf32, #tpu.memory_space<vmem>>, vector<8x128xf32>
      tpu.vector_store %arg4[%swap3A_24, %swap3A_25], %broadcast_in_dim3A_23 {strides = array<i32>} : memref<8x128xf32, #tpu.memory_space<vmem>>, vector<8x128xf32>,
    } else {
    }
    %reduce_sum3A = arith.constant dense<0.000000e+00> : vector<128xf32>
    %reduce_sum3A_10 = vector.multi_reduction <add>, %dot_general3A_5, %reduce_sum3A [0] : vector<1024x128xf32> to vector<128xf32>
    %broadcast_in_dim3A = vector.shape_cast %reduce_sum3A_10 : vector<128xf32> to vector<1x128xf32>
    %mul3A = arith.mulf %dot_general3A_5, %dot_general3A_5 : vector<1024x128xf32>
    %reduce_sum3A_11 = arith.constant dense<0.000000e+00> : vector<128xf32>
    %reduce_sum3A_12 = vector.multi_reduction <add>, %mul3A, %reduce_sum3A_11 [0] : vector<1024x128xf32> to vector<128xf32>
    %broadcast_in_dim3A_13 = vector.shape_cast %reduce_sum3A_12 : vector<128xf32> to vector<1x128xf32>
    %broadcast_in_dim3A_14 = arith.constant 0.000000e+00 : f32
    %broadcast_in_dim3A_15 = vector.broadcast %broadcast_in_dim3A_14 : f32 to vector<6x128xf32>
    %get3A_16 = arith.constant 0 : index
    %get3A_17 = arith.constant 0 : index
    %get3A_18 = vector.load %arg4[%get3A_16, %get3A_17] : memref<8x128xf32, #tpu.memory_space<vmem>>, vector<8x128xf32>
    %concatenate3A = tpu.concatenate %broadcast_in_dim3A, %broadcast_in_dim3A_13, %broadcast_in_dim3A_15 in 0 : vector<1x128xf32>, vector<1x128xf32>, vector<6x128xf32> -> vector<8x128xf32>
    %add3A = arith.addf %get3A_18, %concatenate3A : vector<8x128xf32>
    %swap3A_19 = arith.constant 0 : index
    %swap3A_20 = arith.constant 0 : index
    %swap3A_21 = vector.load %arg4[%swap3A_19, %swap3A_20] : memref<8x128xf32, #tpu.memory_space<vmem>>, vector<8x128xf32>
    tpu.vector_store %arg4[%swap3A_19, %swap3A_20], %add3A {strides = array<i32>} : memref<8x128xf32, #tpu.memory_space<vmem>>, vector<8x128xf32>,
    return
  }
  func.func @transform_0(%arg0: i32) -> (i32, i32) {
    %c0_i32 = arith.constant 0 : i32
    %c0_i32_0 = arith.constant 0 : i32
    return %arg0, %c0_i32 : i32, i32
  }
  func.func @transform_1(%arg0: i32) -> (i32, i32) {
    %c0_i32 = arith.constant 0 : i32
    %c0_i32_0 = arith.constant 0 : i32
    %c0_i32_1 = arith.constant 0 : i32
    return %c0_i32, %c0_i32_0 : i32, i32
  }
  func.func @transform_2(%arg0: i32) -> (i32, i32) {
    %c0_i32 = arith.constant 0 : i32
    %c0_i32_0 = arith.constant 0 : i32
    return %arg0, %c0_i32 : i32, i32
  }
  func.func @transform_3(%arg0: i32) -> (i32, i32) {
    %c0_i32 = arith.constant 0 : i32
    %c0_i32_0 = arith.constant 0 : i32
    %c0_i32_1 = arith.constant 0 : i32
    return %c0_i32, %c0_i32_0 : i32, i32
  }
}

module attributes {stable_mosaic.version = 14 : i64} {
  func.func @_affine_mm_stats_kernel(%arg0: i32, %arg1: memref<1024x128xf32, #tpu.memory_space<vmem>>, %arg2: memref<8x128xf32, #tpu.memory_space<vmem>>, %arg3: memref<128x128xf32, #tpu.memory_space<vmem>>, %arg4: memref<1024x128xf32, #tpu.memory_space<vmem>>, %arg5: memref<8x128xf32, #tpu.memory_space<vmem>>) attributes {dimension_semantics = [#tpu.dimension_semantics<arbitrary>], iteration_bounds = array<i64: 128>, scalar_prefetch = 0 : i64, scratch_operands = 0 : i64, tpu.core_type = #tpu.core_type<tc>, window_params = [{transform_indices = @transform_0, window_bounds = array<i64: 1024, 128>}, {pipeline_mode = #tpu.pipeline_mode<synchronous>, transform_indices = @transform_1, window_bounds = array<i64: 8, 128>}, {pipeline_mode = #tpu.pipeline_mode<synchronous>, transform_indices = @transform_2, window_bounds = array<i64: 128, 128>}, {transform_indices = @transform_3, window_bounds = array<i64: 1024, 128>}, {pipeline_mode = #tpu.pipeline_mode<synchronous>, transform_indices = @transform_4, window_bounds = array<i64: 8, 128>}]} {
    %get3A = arith.constant 0 : index
    %get3A_0 = arith.constant 0 : index
    %get3A_1 = vector.load %arg2[%get3A, %get3A_0] : memref<8x128xf32, #tpu.memory_space<vmem>>, vector<8x128xf32>
    %get3A_2 = arith.constant 0 : index
    %get3A_3 = arith.constant 0 : index
    %get3A_4 = vector.load %arg1[%get3A_2, %get3A_3] : memref<1024x128xf32, #tpu.memory_space<vmem>>, vector<1024x128xf32>
    %slice3A = vector.extract_strided_slice %get3A_1 {offsets = [0, 0], sizes = [1, 128], strides = [1, 1]} : vector<8x128xf32> to vector<1x128xf32>
    %mul3A = vector.broadcast %slice3A : vector<1x128xf32> to vector<1024x128xf32>
    %mul3A_5 = arith.mulf %get3A_4, %mul3A : vector<1024x128xf32>
    %slice3A_6 = vector.extract_strided_slice %get3A_1 {offsets = [1, 0], sizes = [1, 128], strides = [1, 1]} : vector<8x128xf32> to vector<1x128xf32>
    %add3A = vector.broadcast %slice3A_6 : vector<1x128xf32> to vector<1024x128xf32>
    %add3A_7 = arith.addf %mul3A_5, %add3A : vector<1024x128xf32>
    %max3A = arith.constant 0.000000e+00 : f32
    %max3A_8 = vector.broadcast %max3A : f32 to vector<1024x128xf32>
    %max3A_9 = arith.maximumf %add3A_7, %max3A_8 : vector<1024x128xf32>
    %get3A_10 = arith.constant 0 : index
    %get3A_11 = arith.constant 0 : index
    %get3A_12 = vector.load %arg3[%get3A_10, %get3A_11] : memref<128x128xf32, #tpu.memory_space<vmem>>, vector<128x128xf32>
    %dot_general3A = arith.constant dense<0.000000e+00> : vector<1024x128xf32>
    %dot_general3A_13 = tpu.matmul %max3A_9, %get3A_12, %dot_general3A {dimension_numbers = #tpu.dot_dimension_numbers<[1], [0], [0], [1], [0, 0, 1, 1], [], []>, transpose_lhs_hint = false} : vector<1024x128xf32>, vector<128x128xf32>, vector<1024x128xf32> -> vector<1024x128xf32>
    %swap3A = arith.constant 0 : index
    %swap3A_14 = arith.constant 0 : index
    %swap3A_15 = vector.load %arg4[%swap3A, %swap3A_14] : memref<1024x128xf32, #tpu.memory_space<vmem>>, vector<1024x128xf32>
    tpu.vector_store %arg4[%swap3A, %swap3A_14], %dot_general3A_13 {strides = array<i32>} : memref<1024x128xf32, #tpu.memory_space<vmem>>, vector<1024x128xf32>,
    %eq3A = arith.constant 0 : i32
    %eq3A_16 = arith.cmpi eq, %arg0, %eq3A : i32
    %convert_element_type3A = arith.extui %eq3A_16 : i1 to i32
    %cond3A = arith.constant 0 : i32
    %cond3A_17 = arith.cmpi ne, %convert_element_type3A, %cond3A : i32
    scf.if %cond3A_17 {
      %broadcast_in_dim3A_32 = arith.constant 0.000000e+00 : f32
      %broadcast_in_dim3A_33 = vector.broadcast %broadcast_in_dim3A_32 : f32 to vector<8x128xf32>
      %swap3A_34 = arith.constant 0 : index
      %swap3A_35 = arith.constant 0 : index
      %swap3A_36 = vector.load %arg5[%swap3A_34, %swap3A_35] : memref<8x128xf32, #tpu.memory_space<vmem>>, vector<8x128xf32>
      tpu.vector_store %arg5[%swap3A_34, %swap3A_35], %broadcast_in_dim3A_33 {strides = array<i32>} : memref<8x128xf32, #tpu.memory_space<vmem>>, vector<8x128xf32>,
    } else {
    }
    %reduce_sum3A = arith.constant dense<0.000000e+00> : vector<128xf32>
    %reduce_sum3A_18 = vector.multi_reduction <add>, %dot_general3A_13, %reduce_sum3A [0] : vector<1024x128xf32> to vector<128xf32>
    %broadcast_in_dim3A = vector.shape_cast %reduce_sum3A_18 : vector<128xf32> to vector<1x128xf32>
    %mul3A_19 = arith.mulf %dot_general3A_13, %dot_general3A_13 : vector<1024x128xf32>
    %reduce_sum3A_20 = arith.constant dense<0.000000e+00> : vector<128xf32>
    %reduce_sum3A_21 = vector.multi_reduction <add>, %mul3A_19, %reduce_sum3A_20 [0] : vector<1024x128xf32> to vector<128xf32>
    %broadcast_in_dim3A_22 = vector.shape_cast %reduce_sum3A_21 : vector<128xf32> to vector<1x128xf32>
    %broadcast_in_dim3A_23 = arith.constant 0.000000e+00 : f32
    %broadcast_in_dim3A_24 = vector.broadcast %broadcast_in_dim3A_23 : f32 to vector<6x128xf32>
    %get3A_25 = arith.constant 0 : index
    %get3A_26 = arith.constant 0 : index
    %get3A_27 = vector.load %arg5[%get3A_25, %get3A_26] : memref<8x128xf32, #tpu.memory_space<vmem>>, vector<8x128xf32>
    %concatenate3A = tpu.concatenate %broadcast_in_dim3A, %broadcast_in_dim3A_22, %broadcast_in_dim3A_24 in 0 : vector<1x128xf32>, vector<1x128xf32>, vector<6x128xf32> -> vector<8x128xf32>
    %add3A_28 = arith.addf %get3A_27, %concatenate3A : vector<8x128xf32>
    %swap3A_29 = arith.constant 0 : index
    %swap3A_30 = arith.constant 0 : index
    %swap3A_31 = vector.load %arg5[%swap3A_29, %swap3A_30] : memref<8x128xf32, #tpu.memory_space<vmem>>, vector<8x128xf32>
    tpu.vector_store %arg5[%swap3A_29, %swap3A_30], %add3A_28 {strides = array<i32>} : memref<8x128xf32, #tpu.memory_space<vmem>>, vector<8x128xf32>,
    return
  }
  func.func @transform_0(%arg0: i32) -> (i32, i32) {
    %c0_i32 = arith.constant 0 : i32
    %c0_i32_0 = arith.constant 0 : i32
    return %arg0, %c0_i32 : i32, i32
  }
  func.func @transform_1(%arg0: i32) -> (i32, i32) {
    %c0_i32 = arith.constant 0 : i32
    %c0_i32_0 = arith.constant 0 : i32
    %c0_i32_1 = arith.constant 0 : i32
    return %c0_i32, %c0_i32_0 : i32, i32
  }
  func.func @transform_2(%arg0: i32) -> (i32, i32) {
    %c0_i32 = arith.constant 0 : i32
    %c0_i32_0 = arith.constant 0 : i32
    %c0_i32_1 = arith.constant 0 : i32
    return %c0_i32, %c0_i32_0 : i32, i32
  }
  func.func @transform_3(%arg0: i32) -> (i32, i32) {
    %c0_i32 = arith.constant 0 : i32
    %c0_i32_0 = arith.constant 0 : i32
    return %arg0, %c0_i32 : i32, i32
  }
  func.func @transform_4(%arg0: i32) -> (i32, i32) {
    %c0_i32 = arith.constant 0 : i32
    %c0_i32_0 = arith.constant 0 : i32
    %c0_i32_1 = arith.constant 0 : i32
    return %c0_i32, %c0_i32_0 : i32, i32
  }
}

module attributes {stable_mosaic.version = 14 : i64} {
  func.func @_affine_maxpool_kernel(%arg0: i32, %arg1: memref<1024x128xf32, #tpu.memory_space<vmem>>, %arg2: memref<8x128xf32, #tpu.memory_space<vmem>>, %arg3: memref<32x128xf32, #tpu.memory_space<vmem>>) attributes {dimension_semantics = [#tpu.dimension_semantics<arbitrary>], iteration_bounds = array<i64: 128>, scalar_prefetch = 0 : i64, scratch_operands = 0 : i64, tpu.core_type = #tpu.core_type<tc>, window_params = [{transform_indices = @transform_0, window_bounds = array<i64: 1024, 128>}, {pipeline_mode = #tpu.pipeline_mode<synchronous>, transform_indices = @transform_1, window_bounds = array<i64: 8, 128>}, {transform_indices = @transform_2, window_bounds = array<i64: 32, 128>}]} {
    %get3A = arith.constant 0 : index
    %get3A_0 = arith.constant 0 : index
    %get3A_1 = vector.load %arg2[%get3A, %get3A_0] : memref<8x128xf32, #tpu.memory_space<vmem>>, vector<8x128xf32>
    %get3A_2 = arith.constant 0 : index
    %get3A_3 = arith.constant 0 : index
    %get3A_4 = vector.load %arg1[%get3A_2, %get3A_3] : memref<1024x128xf32, #tpu.memory_space<vmem>>, vector<1024x128xf32>
    %slice3A = vector.extract_strided_slice %get3A_1 {offsets = [0, 0], sizes = [1, 128], strides = [1, 1]} : vector<8x128xf32> to vector<1x128xf32>
    %mul3A = vector.broadcast %slice3A : vector<1x128xf32> to vector<1024x128xf32>
    %mul3A_5 = arith.mulf %get3A_4, %mul3A : vector<1024x128xf32>
    %slice3A_6 = vector.extract_strided_slice %get3A_1 {offsets = [1, 0], sizes = [1, 128], strides = [1, 1]} : vector<8x128xf32> to vector<1x128xf32>
    %add3A = vector.broadcast %slice3A_6 : vector<1x128xf32> to vector<1024x128xf32>
    %add3A_7 = arith.addf %mul3A_5, %add3A : vector<1024x128xf32>
    %max3A = arith.constant 0.000000e+00 : f32
    %max3A_8 = vector.broadcast %max3A : f32 to vector<1024x128xf32>
    %max3A_9 = arith.maximumf %add3A_7, %max3A_8 : vector<1024x128xf32>
    %reshape3A = vector.shape_cast %max3A_9 : vector<1024x128xf32> to vector<32x32x128xf32>
    %reduce_max3A = arith.constant dense<0xFF800000> : vector<32x128xf32>
    %reduce_max3A_10 = vector.multi_reduction <maximumf>, %reshape3A, %reduce_max3A [1] : vector<32x32x128xf32> to vector<32x128xf32>
    %swap3A = arith.constant 0 : index
    %swap3A_11 = arith.constant 0 : index
    %swap3A_12 = vector.load %arg3[%swap3A, %swap3A_11] : memref<32x128xf32, #tpu.memory_space<vmem>>, vector<32x128xf32>
    tpu.vector_store %arg3[%swap3A, %swap3A_11], %reduce_max3A_10 {strides = array<i32>} : memref<32x128xf32, #tpu.memory_space<vmem>>, vector<32x128xf32>,
    return
  }
  func.func @transform_0(%arg0: i32) -> (i32, i32) {
    %c0_i32 = arith.constant 0 : i32
    %c0_i32_0 = arith.constant 0 : i32
    return %arg0, %c0_i32 : i32, i32
  }
  func.func @transform_1(%arg0: i32) -> (i32, i32) {
    %c0_i32 = arith.constant 0 : i32
    %c0_i32_0 = arith.constant 0 : i32
    %c0_i32_1 = arith.constant 0 : i32
    return %c0_i32, %c0_i32_0 : i32, i32
  }
  func.func @transform_2(%arg0: i32) -> (i32, i32) {
    %c0_i32 = arith.constant 0 : i32
    %c0_i32_0 = arith.constant 0 : i32
    return %arg0, %c0_i32 : i32, i32
  }
}

</mosaic_0001>

<sc_bundles>
// kernel: gather_offload_async_start
scs
__scs_entry_jumppad:
0x0: {  	(pc) =	sbr.rel $0x88, $3  }
0x1: {  	(tag) =	ssettag $0x0;
	lr =	simm.s32 $0x1  }
0x2: {  	[smem:$0x3F96] =	sst lr;
	_ =	strace $0xD0000000  }
0x3: {  	_ = 	snop  }
0x4: {  	_ = 	snop  }
0x5: {  	_ = 	snop  }
0x6: {  	_ = 	snop  }
0x7: {  	_ = 	snop  }
__scs_overlays_trampoline_lowered:
0x8: {  	[smem:$0x3FA5] =	sst s0  }
0x9: {  	[smem:$0x3FA6] =	sst s1  }
0xa: {  	[smem:$0x3FA7] =	sst s2  }
0xb: {  	[smem:$0x3FA8] =	sst s3  }
0xc: {  	[smem:$0x3FA9] =	sst s4  }
0xd: {  	[smem:$0x3FAA] =	sst s5  }
0xe: {  	[smem:$0x3FAB] =	sst s6  }
0xf: {  	[smem:$0x3FAC] =	sst s7  }
0x10: {  	[smem:$0x3FAD] =	sst s8  }
0x11: {  	[smem:$0x3FAE] =	sst s9;
	s0 =	simm.s32 @!p0 $0x0  }
0x12: {  	s1 =	sld [smem:$0x3F94];
	s0 =	simm.s32 @p0 $0x1  }
0x13: {  	[smem:$0x3FAF] =	sst s0;
	s0 =	simm.s32 @!p1 $0x0  }
0x14: {  	s2 =	sld [smem:$0x3F93];
	s0 =	simm.s32 @p1 $0x1  }
0x15: {  	[smem:$0x3FB0] =	sst s0;
	s0 =	simm.s32 @!p2 $0x0  }
0x16: {  	s3 =	sld [smem:$0x3FDB];
	s0 =	simm.s32 @p2 $0x1  }
0x17: {  	s4 =	simm.s32 $0x1BF5;
	[smem:$0x3FB2] =	sst s0  }
0x18: {  	s0 =	sld [smem:$0x3F95];
	_ =	swait.ge [sflag:s4], $0x0  }
0x19: {  	s7 =	sld [smem:$0x3F96]  }
0x1a: {  	s8 =	sadd.s32 $0xFFFFE003, lr  }
0x1b: {  	s9 =	sadd.s32 $0xFFFFFEF7, lr;
	s5 =	simm.s32 $0xFFFFFFFF;
	p2 =	slt.u32 s8, $0xFFFFF086  }
0x1c: {  	p1 =	slt.u32 s9, $0xF7A;
	s5 =	simm.s32 @!p2 $0x0  }
0x1d: {  	s5 =	simm.s32 @p1 $0x1;
	p0 =	seq.s32 s7, s2  }
0x1e: {  	s7 =	smul.u32 @!p0 $0xF7A, s2;
	p2 =	seq.s32 @!p0 s5, $0x0  }
0x1f: {  	s9 =	smul.u32 $0xF7A, s1;
	s8 =	simm.s32 @!p0 $0x1BF5;
	p2 =	por !p2, p0  }
0x20: {  	[sflag:s8] =	ssyncset.s32 @!p0 $0xFFFFF086;
	s6 =	sadd.s32 @!p0 s3, s7;
	s7 =	simm.s32 @!p0 $0x108  }
0x21: {  	s3 =	sadd.s32 s3, s9;
	s6 =	sadd.s32 @!p0 $0x88, s6;
	s7 =	simm.s32 @p2 $0x1082  }
0x22: {  	[simem:s7], [sflag:s8] =	dma.local @!p0 [hbm:s6], $0xF7A  }
0x23: {  	s9 =	sor.u32 $0xD0000000, s2;
	s6 =	simm.s32 $0x108;
	_ =	swait.ge @!p0 [sflag:s8], $0x0  }
0x24: {  	s3 =	sadd.s32 $0x88, s3;
	s6 =	simm.s32 @!p1 $0x1082;
	[sflag:s4] =	ssyncset.s32 $0xFFFFF086  }
0x25: {  	[simem:s6], [sflag:s4] =	dma.local [hbm:s3], $0xF7A  }
0x26: {  	[smem:$0x3F96] =	sst s1;
	(tag) =	ssettag s2;
	_ =	strace s9  }
0x27: {  	s1 =	sld [smem:$0x3FA6]  }
0x28: {  	s2 =	sld [smem:$0x3FA7]  }
0x29: {  	s4 =	sld [smem:$0x3FA9]  }
0x2a: {  	p0 =	seq.s32 s5, $0x0;
	s5 =	sld [smem:$0x3FAA]  }
0x2b: {  	s6 =	sld [smem:$0x3FAB]  }
0x2c: {  	s7 =	sld [smem:$0x3FAC]  }
0x2d: {  	s3 =	simm.s32 $0x108;
	s8 =	sld [smem:$0x3FAD]  }
0x2e: {  	s3 =	simm.s32 @!p0 $0x1082;
	s9 =	sld [smem:$0x3FAE]  }
0x2f: {  	lr =	sadd.s32 s0, s3;
	s0 =	sld [smem:$0x3FA5]  }
0x30: {  	s3 =	sld [smem:$0x3FA8]  }
0x31: {  	[smem:$0x3FB1] =	sst s10  }
0x32: {  	s10 =	sld [smem:$0x3FAF];
	_ =	sdelay $0x3  }
0x33: {  	p0 =	seq.s32 s10, $0x1;
	s10 =	sld [smem:$0x3FB1];
	_ =	sdelay $0x3  }
0x34: {  	[smem:$0x3FB1] =	sst s10  }
0x35: {  	s10 =	sld [smem:$0x3FB0];
	_ =	sdelay $0x3  }
0x36: {  	p1 =	seq.s32 s10, $0x1;
	s10 =	sld [smem:$0x3FB1];
	_ =	sdelay $0x3  }
0x37: {  	[smem:$0x3FB1] =	sst s10  }
0x38: {  	s10 =	sld [smem:$0x3FB2]  }
0x39: {  	_ = 	snop;
	(pc) =	sbr.ind lr, $3  }
0x3a: {  	_ = 	snop  }
0x3b: {  	_ = 	snop  }
0x3c: {  	p2 =	seq.s32 s10, $0x1;
	s10 =	sld [smem:$0x3FB1]  }
0x3d: {  	_ =	shalt  }
0x3e: {  	_ =	shalt  }
0x3f: {  	_ =	shalt  }
0x40: {  	_ =	shalt  }
0x41: {  	_ =	shalt  }
0x42: {  	_ =	shalt  }
0x43: {  	_ =	shalt  }
0x44: {  	_ =	shalt  }
0x45: {  	_ =	shalt  }
0x46: {  	_ =	shalt  }
0x47: {  	_ =	shalt  }
0x48: {  	_ =	shalt  }
0x49: {  	_ =	shalt  }
0x4a: {  	_ =	shalt  }
0x4b: {  	_ =	shalt  }
0x4c: {  	_ =	shalt  }
0x4d: {  	_ =	shalt  }
0x4e: {  	_ =	shalt  }
0x4f: {  	_ =	shalt  }
0x50: {  	_ =	shalt  }
0x51: {  	_ =	shalt  }
0x52: {  	_ =	shalt  }
0x53: {  	_ =	shalt  }
0x54: {  	_ =	shalt  }
0x55: {  	_ =	shalt  }
0x56: {  	_ =	shalt  }
0x57: {  	_ =	shalt  }
0x58: {  	_ =	shalt  }
0x59: {  	_ =	shalt  }
0x5a: {  	_ =	shalt  }
0x5b: {  	_ =	shalt  }
0x5c: {  	_ =	shalt  }
0x5d: {  	_ =	shalt  }
0x5e: {  	_ =	shalt  }
0x5f: {  	_ =	shalt  }
0x60: {  	_ =	shalt  }
0x61: {  	_ =	shalt  }
0x62: {  	_ =	shalt  }
0x63: {  	_ =	shalt  }
0x64: {  	_ =	shalt  }
0x65: {  	_ =	shalt  }
0x66: {  	_ =	shalt  }
0x67: {  	_ =	shalt  }
0x68: {  	_ =	shalt  }
0x69: {  	_ =	shalt  }
0x6a: {  	_ =	shalt  }
0x6b: {  	_ =	shalt  }
0x6c: {  	_ =	shalt  }
0x6d: {  	_ =	shalt  }
0x6e: {  	_ =	shalt  }
0x6f: {  	_ =	shalt  }
0x70: {  	_ =	shalt  }
0x71: {  	_ =	shalt  }
0x72: {  	_ =	shalt  }
0x73: {  	_ =	shalt  }
0x74: {  	_ =	shalt  }
0x75: {  	_ =	shalt  }
0x76: {  	_ =	shalt  }
0x77: {  	_ =	shalt  }
0x78: {  	_ =	shalt  }
0x79: {  	_ =	shalt  }
0x7a: {  	_ =	shalt  }
0x7b: {  	_ =	shalt  }
0x7c: {  	_ =	shalt  }
0x7d: {  	_ =	shalt  }
0x7e: {  	_ =	shalt  }
0x7f: {  	_ =	shalt  }
0x80: {  	_ =	shalt  }
0x81: {  	_ =	shalt  }
0x82: {  	_ =	shalt  }
0x83: {  	_ =	shalt  }
0x84: {  	_ =	shalt  }
0x85: {  	_ =	shalt  }
0x86: {  	_ =	shalt  }
0x87: {  	_ =	shalt  }
.Lfunc_end0:
.L_simem_size_0:
called_computation.1_lowered:
.L_overlay_start_0:
0x88: {  	s2 =	sld [smem:$0x3FD9]  }
0x89: {  	s3 =	sld [smem:$0x3FFE];
	_ =	sdelay $0x1  }
0x8a: {  	s1 =	srdreg.scid  }
0x8b: {  	s0 =	sand.u32 $0x1, s1  }
0x8c: {  	s14 =	sshll.u32 s0, $0xA;
	s2 =	sadd.s32 s3, s2  }
0x8d: {  	s2 =	sadd.s32 s2, s14  }
0x8e: {  	[smem:$0x3FBD] =	sst s2  }
0x8f: {  	_ = 	snop  }
0x90: {  	s2 =	sld [smem:$0x3FD0];
	_ =	sdelay $0x2  }
0x91: {  	s15 =	simm.s32 $0xA;
	s4 =	simm.s32 $0x10  }
0x92: {  	[smem:s4], [sflag:s15] =	dma.local [hbm:s2], $0x1  }
0x93: {  	_ =	swait.eq [sflag:s15], $0x1  }
0x94: {  	[sflag:s15] =	ssyncset.done $0x0  }
0x95: {  	s16 =	sld [smem:$0x10];
	[sflag:s15] =	ssyncadd.s32 $0xFFFFFFFF  }
0x96: {  	s17 =	sld [smem:$0x11];
	(tm) =	ssettm $0x1  }
0x97: {  	s18 =	sld [smem:$0x3FFB];
	_ =	sdelay $0x3  }
0x98: {  	_ =	strace s18  }
0x99: {  	s4 =	sld [smem:$0x3FFC];
	_ =	sdelay $0x3  }
0x9a: {  	_ =	strace s4  }
0x9b: {  	s4 =	sld [smem:$0x3FFD];
	_ =	sdelay $0x3  }
0x9c: {  	_ =	strace s4  }
0x9d: {  	_ =	strace $0x8FFFFFFF  }
0x9e: {  	s19 =	sld [smem:$0x3FDB];
	_ =	sdelay $0x1  }
0x9f: {  	s5 =	simm.s32 $_scs_section_size  }
0xa0: {  	s6 =	simm.s32 $_size__tile_overlayer_lowered;
	s7 =	simm.s32 $_tile_overlayer_lowered  }
0xa1: {  	s22 =	simm.s32 $0x1BFF;
	s21 =	sshll.u32 s7, $0x1;
	s4 =	sadd.s32 s5, s19  }
0xa2: {  	s8 =	simm.s32 $0x0;
	s20 =	sshll.u32 s6, $0x1;
	s6 =	sadd.s32 s21, s4  }
0xa3: {  	[timem:s8], [sflag:s22] =	dma.local [hbm:s6], s20  }
0xa4: {  	_ =	swait.ge [sflag:s22], s20  }
0xa5: {  	s5 =	ssub.s32 $0x0, s20;
	[sflag:s22] =	ssyncset.done $0x0  }
0xa6: {  	[sflag:s22] =	ssyncadd.s32 s5;
	_ =	sdelay $0x1  }
0xa7: {  	s23 =	simm.s32 $0x1B8B  }
0xa8: {  	_ =	swait.ge [sflag:s23], $0x1  }
0xa9: {  	[sflag:s23] =	ssyncset.done $0x0  }
0xaa: {  	s25 =	simm.s32 $0x1B8E;
	s24 =	sld [smem:$0x3FFE];
	[sflag:s23] =	ssyncadd.s32 $0xFFFFFFFF  }
0xab: {  	s26 =	simm.s32 $execute0_lowered;
	[smem:$0x3FD2] =	sst s25  }
0xac: {  	s6 =	sshll.u32 s26, $0x1;
	_ =	strace $0x80000046;
	[dreg:$0x1] =	wrdreg $0xFFFFFFFF  }
0xad: {  	s28 =	simm.s32 $_size_execute0_lowered;
	s4 =	sadd.s32 s4, s6;
	[dreg:$0x0] =	wrdreg $0x0  }
0xae: {  	s6 =	sshll.u32 s28, $0x1;
	[dreg:$0x2] =	wrdreg s4  }
0xaf: {  	[dreg:$0x3] =	wrdreg s6  }
0xb0: {  	[dreg:$0x4] =	wrdreg $0xC0  }
0xb1: {  	_ =	task [dreg:s8], $0x5FFFF  }
0xb2: {  	[dreg:$0x1] =	wrdreg $0xFFFFFFFF  }
0xb3: {  	[dreg:$0x0] =	wrdreg $0x60  }
0xb4: {  	[dreg:$0x2] =	wrdreg s24  }
0xb5: {  	[dreg:$0x3] =	wrdreg s16  }
0xb6: {  	[dreg:$0x4] =	wrdreg s17  }
0xb7: {  	[dreg:$0x5] =	wrdreg $0x9  }
0xb8: {  	_ =	task.clear_ibuf [dreg:s8], $0x6FFFF;
	_ =	strace $0x90000046  }
0xb9: {  	s29 =	simm.s32 $0x9;
	_ =	strace $0x80000048  }
0xba: {  	_ =	swait.ge [sflag:s29], $0x1  }
0xbb: {  	[sflag:s29] =	ssyncadd.s32 $0xFFFFFFFF  }
0xbc: {  	_ =	strace $0x90000048  }
0xbd: {  	_ =	sfence  }
0xbe: {  	s30 =	sld [smem:$0x0];
	_ =	sdelay $0x2  }
0xbf: {  	s31 =	sshll.u32 s1, $0xD;
	s1 =	sshrl.u32 s1, $0x2  }
0xc0: {  	s3 =	sand.u32 $0x4000, s31;
	s1 =	sadd.s32 s1, s30  }
0xc1: {  	s0 =	sor.u32 s3, s0;
	s1 =	sshll.u32 s1, $0x11  }
0xc2: {  	s0 =	sor.u32 s1, s0  }
0xc3: {  	s0 =	sadd.s32 $0x8F2B, s0  }
0xc4: {  	[sflag:s0] =	ssyncadd.remote.s32 $0x1  }
0xc5: {  	_ =	sfence.sel $0xFFFF  }
0xc6: {  	[dreg:$0x0] =	wrdreg $0xFFFFFFFF;
	(pc) =	sbr.abs _section_cstart, $3  }
0xc7: {  	[dreg:$0x1] =	wrdreg $0xFFFFFFFF  }
0xc8: {  	_ =	task.clear_ibuf [dreg:s8], $0x2FFFF;
	_ =	strace $0x9FFFFFFF  }
0xc9: {  	(tm) =	ssettm $0x7FFFFFFF  }
tec
execute0_lowered:
.L_overlay_start_1:
0x0: {  	(tag) =	ssettag $0x1  }
0x1: {  	s7 =	rddreg [dreg:$0x0]  }
0x2: {  	s2 =	rddreg [dreg:$0x1]  }
0x3: {  	s3 =	rddreg [dreg:$0x2]  }
0x4: {  	s0 =	rddreg [dreg:$0x3];
	s1 =	srdreg.scid;
	_ =	strace $0x80000047  }
0x5: {  	s4 =	simm.s32 $0x1;
	s9 =	simm.s32 $0x3;
	s5 =	sshll.u32 s1, $0x4  }
.Ltmp0:
0x6: {  	s1 =	stileid.u32;
	s5 =	sand.u32 $0x10, s5;
	(pc) =	sbr.rel .LBB2_1-.Ltmp0, $4  }
0x7: {  	s12 =	simm.s32 $0x0;
	s10 =	simm.s32 $0x0;
	s6 =	sor.u32 s1, s5  }
0x8: {  	[sflag:s4] =	ssyncpa.u1 $0x0;
	s5 =	simm.s32 $0x2;
	s6 =	sshll.u32 s6, $0x7  }
0x9: {  	s7 =	sadd.s32 $0x3200, s7;
	[sflag:s5] =	ssyncpa.u1 $0x0;
	s8 =	sadd.s32 $0x80, s6  }
0xa: {  	vm0 =	vmmov $0xff;
	vm1 =	vcmask $0x3F20;
	[sflag:s9] =	ssyncpa.u1 $0x0;
	s9 =	simm.s32 $0x80;
	s11 =	smov.u32 s6  }
.LBB2_9:
0xb: {  	p0 =	seq.s32 s10, $0x2  }
.Ltmp1:
0xc: {  	_ = 	snop;
	(pc) =	sbr.rel @p0 .LBB2_11-.Ltmp1, $1  }
0xd: {  	_ =	sdelay $0x3  }
.LBB2_10:
0xe: {  	s12 =	sadd.s32 $0x80, s11  }
0xf: {  	s13 =	smov.u32 s6;
	p0 =	slt.s32 s12, s8  }
0x10: {  	s13 =	smov.u32 @p0 s12  }
0x11: {  	s10 =	sadd.s32 $0x1, s10;
	s12 =	smov.u32 s11;
	s11 =	smov.u32 s13  }
.LBB2_1:
0x12: {  	p0 =	sne.s32 s10, $0x0  }
.Ltmp2:
0x13: {  	_ = 	snop;
	(pc) =	sbr.rel @!p0 .LBB2_2-.Ltmp2, $1  }
0x14: {  	_ =	sdelay $0x3  }
0x15: {  	s13 =	sand.u32 $0x1, s10  }
0x16: {  	p0 =	seq.s32 s13, $0x0  }
.Ltmp3:
0x17: {  	_ = 	snop;
	(pc) =	sbr.rel @p0 .LBB2_9-.Ltmp3, $1  }
0x18: {  	_ =	sdelay $0x3  }
0x19: {  	_ =	swait.ge [sflag:s5], $0x80  }
0x1a: {  	[sflag:s5] =	ssyncset.done $0x0  }
0x1b: {  	s13 =	simm.s32 $0x0;
	[sflag:s5] =	ssyncadd.s32 $0xFFFFFF80  }
0x1c: {  	v0 =	vld.msk [tilespmem:s13+$0x80 ss:$0x1], $0xffff;
	_ =	sdelay $0x4  }
0x1d: {  	v1 =	vshll.u32 v0, $0x5  }
0x1e: {  	vm2 =	veq.s32 v0, $0x80000000;
	v0 =	vshll.u32 v0, $0x14;
	v1 =	vand.u32 $0xFFF80, v1  }
0x1f: {  	v0 =	vand.u32 $0x300000, v0;
	v1 =	vsel vm2, $0xFFFFFF80, v1  }
0x20: {  	v0 =	vsel vm2, $0xFFF00000, v0;
	v2 =	vand.u32 $0xFFFFFC00, v1  }
0x21: {  	v1 =	vand.u32 $0x380, v1;
	v0 =	vadd.s32 v0, v2  }
0x22: {  	v0 =	vor.u32 v1, v0  }
0x23: {  	v0 =	vshrl.u32 v0, $0x3;
	_ =	sdelay $0x3  }
0x24: {  	s13 =	simm.s32 $0x4100  }
0x25: {  	[tilespmem:s13], [sflag:$0x1] =	stream.indirect_vreg.gather [hbm:s7], $0x80, v0, vm0, $0x38;
	[tilespmem:$0x8100] =	vst v63  }
0x26: {  	s14 =	simm.s32 $0x4500;
	s31 =	simm.s32 $0x10  }
0x27: {  	[tilespmem:s14], [sflag:$0x1] =	stream.indirect_vreg.gather [hbm:s7], $0x80, v0, vm1, $0x38;
	[tilespmem:$0x8100] =	vst v63  }
0x28: {  	s14 =	simm.s32 $0x80;
	v0 =	vld.msk [tilespmem:s31+$0x80 ss:$0x1], $0xffff  }
.LBB2_5:
0x29: {  	p0 =	sne.s32 s14, $0x1C0;
	_ =	sdelay $0x4  }
0x2a: {  	v1 =	vshll.u32 v0, $0x5  }
0x2b: {  	vm2 =	veq.s32 v0, $0x80000000;
	v0 =	vshll.u32 v0, $0x14;
	v1 =	vand.u32 $0xFFF80, v1  }
0x2c: {  	v0 =	vand.u32 $0x300000, v0;
	v1 =	vsel vm2, $0xFFFFFF80, v1  }
0x2d: {  	v0 =	vsel vm2, $0xFFF00000, v0;
	v2 =	vand.u32 $0xFFFFFC00, v1  }
0x2e: {  	v1 =	vand.u32 $0x380, v1;
	v0 =	vadd.s32 v0, v2  }
0x2f: {  	v0 =	vor.u32 v1, v0  }
0x30: {  	v0 =	vshrl.u32 v0, $0x3;
	_ =	sdelay $0x3  }
.Ltmp4:
0x31: {  	s13 =	sadd.s32 $0x800, s13;
	(pc) =	sbr.rel @p0 .LBB2_5-.Ltmp4, $4  }
0x32: {  	[tilespmem:s13], [sflag:$0x1] =	stream.indirect_vreg.gather [hbm:s7], $0x80, v0, vm0, $0x38;
	[tilespmem:$0x8100] =	vst v63  }
0x33: {  	s15 =	sshra.s32 s14, $0x2;
	s16 =	sadd.s32 $0x400, s13  }
0x34: {  	[tilespmem:s16], [sflag:$0x1] =	stream.indirect_vreg.gather [hbm:s7], $0x80, v0, vm1, $0x38;
	[tilespmem:$0x8100] =	vst v63  }
0x35: {  	s14 =	sadd.s32 $0x40, s14;
	v0 =	vld.msk [tilespmem:s15+$0x80 ss:$0x1], $0xffff  }
0x36: {  	_ =	sdelay $0x3  }
0x37: {  	v1 =	vshll.u32 v0, $0x5  }
0x38: {  	vm2 =	veq.s32 v0, $0x80000000;
	v63 =	vshll.u32 v0, $0x14;
	v1 =	vand.u32 $0xFFF80, v1  }
0x39: {  	v0 =	vand.u32 $0x300000, v63;
	v1 =	vsel vm2, $0xFFFFFF80, v1  }
0x3a: {  	v0 =	vsel vm2, $0xFFF00000, v0;
	v2 =	vand.u32 $0xFFFFFC00, v1  }
0x3b: {  	v1 =	vand.u32 $0x380, v1;
	v0 =	vadd.s32 v0, v2  }
0x3c: {  	v0 =	vor.u32 v1, v0  }
0x3d: {  	v0 =	vshrl.u32 v0, $0x3;
	_ =	sdelay $0x3  }
0x3e: {  	s13 =	sadd.s32 $0x800, s13  }
0x3f: {  	[tilespmem:s13], [sflag:$0x1] =	stream.indirect_vreg.gather [hbm:s7], $0x80, v0, vm0, $0x38;
	[tilespmem:$0x8100] =	vst v63  }
0x40: {  	s13 =	sadd.s32 $0x400, s13  }
0x41: {  	[tilespmem:s13], [sflag:$0x1] =	stream.indirect_vreg.gather [hbm:s7], $0x80, v0, vm1, $0x38;
	[tilespmem:$0x8100] =	vst v63  }
0x42: {  	s12 =	sshll.u32 s12, $0x4;
	s14 =	simm.s32 $0x80;
	_ =	swait.ge [sflag:s4], $0x4000  }
0x43: {  	s15 =	simm.s32 $0x4500;
	s12 =	sadd.s32 s12, s3;
	[sflag:s4] =	ssyncset.done $0x0  }
0x44: {  	s16 =	sadd.s32 $0x0, s12;
	s13 =	simm.s32 $0x4100;
	[sflag:s4] =	ssyncadd.s32 $0xFFFFC000  }
.LBB2_7:
0x45: {  	[hbm:s16] =	stream.linear.scatter [tilespmem:s13], [sflag:$0x3], $0x400, $0x38;
	[tilespmem:$0x8100] =	vst v63  }
0x46: {  	s16 =	smov.u32 s14;
	s13 =	smov.u32 s15;
	p0 =	sne.s32 s14, $0x780  }
.Ltmp5:
0x47: {  	s14 =	sadd.s32 $0x80, s14;
	(pc) =	sbr.rel @p0 .LBB2_7-.Ltmp5, $2  }
0x48: {  	_ =	sdelay $0x2  }
0x49: {  	s15 =	sadd.s32 $0x400, s15;
	s16 =	sadd.s32 s16, s12  }
.Ltmp6:
0x4a: {  	(pc) =	sbr.rel .LBB2_9-.Ltmp6, $2  }
0x4b: {  	_ =	sdelay $0x2  }
0x4c: {  	[hbm:s16] =	stream.linear.scatter [tilespmem:s13], [sflag:$0x3], $0x400, $0x38;
	[tilespmem:$0x8100] =	vst v63  }
.LBB2_2:
.Ltmp7:
0x4d: {  	(pc) =	sbr.rel .LBB2_10-.Ltmp7, $4  }
0x4e: {  	_ = 	snop  }
0x4f: {  	s12 =	sshrl.u32 s11, $0x3  }
0x50: {  	s13 =	sand.u32 $0x7, s11;
	s12 =	sadd.s32 s2, s12  }
0x51: {  	[tilespmem:s9], [sflag:$0x2] =	stream.linear.gather [hbm4b:s12+s13], $0x80, $0x38;
	[tilespmem:$0x8100] =	vst v63  }
.LBB2_11:
0x52: {  	s2 =	simm.s32 $0x3  }
0x53: {  	_ =	swait.ge [sflag:s2], $0x4000  }
0x54: {  	[sflag:s2] =	ssyncset.done $0x0  }
0x55: {  	[sflag:s2] =	ssyncadd.s32 $0xFFFFC000  }
0x56: {  	_ =	sfence.sel $0x180000  }
0x57: {  	s3 =	simm.s32 $0x2;
	[bflag:$0x0] =	sbarrier.arrive $0xFFFF  }
0x58: {  	[sflag:s3] =	ssyncpa.u1 $0x1  }
0x59: {  	s31 =	simm.s32 $0x1;
	[sflag:s2] =	ssyncpa.u1 $0x1  }
0x5a: {  	[sflag:s31] =	ssyncpa.u1 $0x1  }
0x5b: {  	p0 =	sne.s32 s1, $0x0;
	_ =	strace $0x90000047  }
0x5c: {  	s0 =	sadd.s32 @!p0 $0x100000, s0;
	[bflag:$0x2] =	sbarrier.arrive $0xFFFF  }
0x5d: {  	[sflag:s0] =	ssyncadd.tile.s32 @!p0 $0x1;
	_ =	shalt  }
.Lfunc_end2:
_tile_overlayer_lowered:
.L_overlay_start_2:
0x5e: {  	(tag) =	ssettag $0x2  }
0x5f: {  	s0 =	rddreg [dreg:$0x0];
	s2 =	stileid.u32  }
0x60: {  	s1 =	rddreg [dreg:$0x1];
	p0 =	sne.s32 s2, $0x0  }
0x61: {  	s3 =	rddreg [dreg:$0x2];
	[bflag:$0x3] =	sbarrier.arrive $0xFFFF;
	s2 =	simm.s32 @!p0 $0x1C01  }
0x62: {  	[timem:s3], [sflag:s2] =	dma.local @!p0 [hbm:s0], s1  }
0x63: {  	s0 =	simm.s32 @!p0 $0x1  }
0x64: {  	_ =	swait.ge @!p0 [sflag:s0], s1  }
0x65: {  	s1 =	ssub.s32 @!p0 $0x0, s1;
	[sflag:s0] =	ssyncset.done @!p0 $0x0  }
0x66: {  	[sflag:s0] =	ssyncadd.s32 @!p0 s1  }
0x67: {  	[bflag:$0x3] =	sbarrier.arrive $0xFFFF  }
0x68: {  	_ =	shalt  }

// kernel: sparse-core-data-format-call.cloned.1.call-start
scs
called_computation_lowered:
.L_overlay_start_0:
0x0: {  	s1 =	sld [smem:$0x3FD9]  }
0x1: {  	s2 =	sld [smem:$0x3FFE];
	_ =	sdelay $0x1  }
0x2: {  	s3 =	srdreg.scid  }
0x3: {  	s0 =	sand.u32 $0x1, s3  }
0x4: {  	s17 =	sshll.u32 s0, $0xA;
	s1 =	sadd.s32 s2, s1  }
0x5: {  	s1 =	sadd.s32 s1, s17  }
0x6: {  	[smem:$0x3FBD] =	sst s1  }
0x7: {  	_ = 	snop  }
0x8: {  	(tm) =	ssettm $0x1  }
0x9: {  	s18 =	sld [smem:$0x3FFB];
	_ =	sdelay $0x3  }
0xa: {  	_ =	strace s18  }
0xb: {  	s1 =	sld [smem:$0x3FFC];
	_ =	sdelay $0x3  }
0xc: {  	_ =	strace s1  }
0xd: {  	s1 =	sld [smem:$0x3FFD];
	_ =	sdelay $0x3  }
0xe: {  	_ =	strace s1  }
0xf: {  	_ =	strace $0x8FFFFFFF  }
0x10: {  	s19 =	sld [smem:$0x3FDB];
	_ =	sdelay $0x1  }
0x11: {  	s20 =	simm.s32 $_scs_section_size  }
0x12: {  	s4 =	simm.s32 $_size__tile_overlayer_lowered;
	s5 =	simm.s32 $_tile_overlayer_lowered  }
0x13: {  	s23 =	simm.s32 $0x1BFF;
	s22 =	sshll.u32 s5, $0x1;
	s1 =	sadd.s32 s20, s19  }
0x14: {  	s6 =	simm.s32 $0x0;
	s21 =	sshll.u32 s4, $0x1;
	s4 =	sadd.s32 s22, s1  }
0x15: {  	[timem:s6], [sflag:s23] =	dma.local [hbm:s4], s21  }
0x16: {  	_ =	swait.ge [sflag:s23], s21  }
0x17: {  	s2 =	ssub.s32 $0x0, s21;
	[sflag:s23] =	ssyncset.done $0x0  }
0x18: {  	[sflag:s23] =	ssyncadd.s32 s2;
	_ =	sdelay $0x1  }
0x19: {  	s24 =	simm.s32 $0x1B8B  }
0x1a: {  	_ =	swait.ge [sflag:s24], $0x1  }
0x1b: {  	[sflag:s24] =	ssyncset.done $0x0  }
0x1c: {  	s26 =	simm.s32 $0x1B8E;
	s25 =	sld [smem:$0x3FFE];
	[sflag:s24] =	ssyncadd.s32 $0xFFFFFFFF  }
0x1d: {  	s27 =	simm.s32 $execute0_lowered;
	[smem:$0x3FD2] =	sst s26  }
0x1e: {  	s4 =	sshll.u32 s27, $0x1;
	_ =	strace $0x80000049;
	[dreg:$0x1] =	wrdreg $0xFFFFFFFF  }
0x1f: {  	s28 =	simm.s32 $_size_execute0_lowered;
	s1 =	sadd.s32 s1, s4;
	[dreg:$0x0] =	wrdreg $0x0  }
0x20: {  	s4 =	sshll.u32 s28, $0x1;
	[dreg:$0x2] =	wrdreg s1  }
0x21: {  	[dreg:$0x3] =	wrdreg s4  }
0x22: {  	[dreg:$0x4] =	wrdreg $0xC0  }
0x23: {  	_ =	task [dreg:s6], $0x5FFFF  }
0x24: {  	[dreg:$0x1] =	wrdreg $0xFFFFFFFF  }
0x25: {  	[dreg:$0x0] =	wrdreg $0x60  }
0x26: {  	[dreg:$0x2] =	wrdreg s25  }
0x27: {  	[dreg:$0x3] =	wrdreg $0x9  }
0x28: {  	_ =	task.clear_ibuf [dreg:s6], $0x4FFFF;
	_ =	strace $0x90000049  }
0x29: {  	s29 =	simm.s32 $0x9;
	_ =	strace $0x8000004B  }
0x2a: {  	_ =	swait.ge [sflag:s29], $0x1  }
0x2b: {  	[sflag:s29] =	ssyncadd.s32 $0xFFFFFFFF  }
0x2c: {  	_ =	strace $0x9000004B  }
0x2d: {  	_ =	sfence  }
0x2e: {  	s30 =	sld [smem:$0x0];
	_ =	sdelay $0x2  }
0x2f: {  	s31 =	sshll.u32 s3, $0xD;
	s3 =	sshrl.u32 s3, $0x2  }
0x30: {  	s2 =	sand.u32 $0x4000, s31;
	s1 =	sadd.s32 s3, s30  }
0x31: {  	s0 =	sor.u32 s2, s0;
	s1 =	sshll.u32 s1, $0x11  }
0x32: {  	s0 =	sor.u32 s1, s0  }
0x33: {  	s0 =	sadd.s32 $0x8F2B, s0  }
0x34: {  	[sflag:s0] =	ssyncadd.remote.s32 $0x1  }
0x35: {  	_ =	sfence.sel $0xFFFF  }
0x36: {  	[dreg:$0x0] =	wrdreg $0xFFFFFFFF;
	(pc) =	sbr.abs _section_cstart, $3  }
0x37: {  	[dreg:$0x1] =	wrdreg $0xFFFFFFFF  }
0x38: {  	_ =	task.clear_ibuf [dreg:s6], $0x2FFFF;
	_ =	strace $0x9FFFFFFF  }
0x39: {  	(tm) =	ssettm $0x7FFFFFFF  }
tec
execute0_lowered:
.L_overlay_start_1:
0x0: {  	(tag) =	ssettag $0x1  }
0x1: {  	s0 =	stileid.u32;
	s1 =	srdreg.scid  }
0x2: {  	s4 =	rddreg [dreg:$0x0];
	s7 =	simm.s32 $0x1;
	s31 =	simm.s32 $0x2  }
0x3: {  	s16 =	simm.s32 $0x0;
	s2 =	sshll.u32 s0, $0x5;
	s1 =	sshll.u32 s1, $0x9  }
0x4: {  	s9 =	simm.s32 $0x2000;
	s14 =	simm.s32 $0x0;
	s1 =	sor.u32 s2, s1  }
0x5: {  	s15 =	simm.s32 $0x0;
	s10 =	simm.s32 $0x0;
	s2 =	sand.u32 $0x380, s1  }
0x6: {  	s13 =	simm.s32 $0x0;
	s3 =	sadd.s32 $0x83200, s4;
	s5 =	ssub.s32 $0x400, s2  }
0x7: {  	s4 =	sadd.s32 $0x483200, s4;
	s1 =	rddreg [dreg:$0x1];
	s6 =	sand.u32 $0x380, s5  }
.Ltmp0:
0x8: {  	_ =	strace $0x8000004A;
	p0 =	sne.s32 s6, $0x0;
	(pc) =	sbr.rel .LBB1_1-.Ltmp0, $4  }
0x9: {  	s11 =	smov.u32 s2;
	s8 =	sshrl.u32 s5, $0xA;
	s7 =	simm.s32 @!p0 $0x0  }
0xa: {  	s5 =	sand.u32 $0x3, s0;
	s6 =	simm.s32 $0x1;
	s7 =	sadd.s32 s7, s8  }
0xb: {  	s12 =	smov.u32 s5;
	[sflag:s6] =	ssyncpa.u1 $0x0;
	s7 =	sshll.u32 s7, $0x6  }
0xc: {  	p0 =	por $0x0, $0x0;
	[sflag:s31] =	ssyncpa.u1 $0x0;
	s8 =	sor.u32 $0x1, s7  }
.LBB1_4:
0xd: {  	v5 =	vld [tilespmem:s20+$0xFFFFFFD0];
	[tilespmem:s19+$0x2040 ss:$0x81] =	vst.msk $0xffff, v1  }
0xe: {  	v58 =	vld [tilespmem:s20+$0xFFFFFFE0];
	[tilespmem:s19+$0x2850 ss:$0x81] =	vst.msk $0xffff, v2  }
0xf: {  	s21 =	sshra.s32 s21, $0x2;
	v59 =	vld [tilespmem:s20+$0xFFFFFFF0];
	[tilespmem:s19+$0x3060 ss:$0x81] =	vst.msk $0xffff, v3  }
0x10: {  	v60 =	vld [tilespmem:s20+$0x0];
	[tilespmem:s19+$0x0 ss:$0x81] =	vst.msk $0xffff, v0;
	s18 =	sadd.s32 s21, s18  }
0x11: {  	v61 =	vld [tilespmem:s20+$0x10];
	[tilespmem:s18+$0x3870 ss:$0x81] =	vst.msk $0xffff, v4  }
0x12: {  	v62 =	vld [tilespmem:s20+$0x20];
	s26 =	sshll.u32 s16, $0xA;
	s27 =	sshll.u32 s14, $0x3;
	[tilespmem:s18+$0x810 ss:$0x81] =	vst.msk $0xffff, v5  }
0x13: {  	v63 =	vld [tilespmem:s20+$0xFFFFFFC0];
	s29 =	sshll.u32 s16, $0x7;
	s30 =	sand.u32 $0x78, s14;
	s15 =	sshll.u32 s15, $0x14;
	[tilespmem:s18+$0x1020 ss:$0x81] =	vst.msk $0xffff, v58  }
0x14: {  	s19 =	sand.u32 $0x7FE000, s26;
	s28 =	sand.u32 $0x7FFC00, s27;
	s16 =	sand.u32 $0x380, s29;
	[tilespmem:s18+$0x1830 ss:$0x81] =	vst.msk $0xffff, v59  }
0x15: {  	s31 =	sand.u32 $0x7, s14;
	s19 =	sadd.s32 s28, s19;
	s16 =	sor.u32 s30, s16;
	[tilespmem:s18+$0x2040 ss:$0x81] =	vst.msk $0xffff, v60  }
0x16: {  	s15 =	sadd.s32 s4, s15;
	s19 =	sshrl.u32 s19, $0x3;
	s16 =	sshrl.u32 s16, $0x3;
	[tilespmem:s18+$0x2850 ss:$0x81] =	vst.msk $0xffff, v61  }
0x17: {  	s14 =	sshll.u32 s31, $0x12;
	s19 =	sand.u32 $0xFFF80, s19;
	s15 =	sadd.s32 s16, s15;
	[tilespmem:s18+$0x3060 ss:$0x81] =	vst.msk $0xffff, v62  }
0x18: {  	s14 =	sor.u32 $0x400, s14;
	[tilespmem:s18+$0x0 ss:$0x81] =	vst.msk $0xffff, v63;
	s15 =	sadd.s32 s19, s15  }
0x19: {  	[hbm4b:s15+s14] =	stream.strided.scatter [tilespmem:s17], [sflag:$0x2], $0x4000, s9, s14, $0x20;
	[tilespmem:$0x10100] =	vst v63  }
.LBB1_5:
0x1a: {  	s17 =	sadd.s32 $0x80, s10  }
0x1b: {  	s14 =	sadd.s32 $0x400, s11;
	s18 =	smov.u32 s11;
	p2 =	sgt.s32 s17, $0x1FFF  }
0x1c: {  	s18 =	smov.u32 @p2 s14  }
0x1d: {  	s20 =	smov.u32 s12;
	s14 =	sadd.s32 $0x4, s12;
	p3 =	sgt.s32 s18, $0x3FF  }
0x1e: {  	s20 =	smov.u32 @p3 s14  }
0x1f: {  	s17 =	simm.s32 @p2 $0x0;
	p2 =	sgt.s32 s20, $0x3  }
0x20: {  	p1 =	slt.u32 s13, $0x2;
	s20 =	smov.u32 @p2 s5;
	p2 =	sne.s32 s13, s8  }
.Ltmp1:
0x21: {  	s19 =	simm.s32 @!p1 $0x2;
	(pc) =	sbr.rel @!p2 .LBB1_6-.Ltmp1, $4  }
0x22: {  	s16 =	smov.u32 s10;
	s15 =	smov.u32 s12;
	_ =	swait.ge @!p1 [sflag:s19], $0x4000  }
0x23: {  	p0 =	por !p0, !p0;
	[sflag:s19] =	ssyncset.done @!p1 $0x0;
	s10 =	smov.u32 s17  }
0x24: {  	s18 =	smov.u32 @p3 s2;
	s14 =	smov.u32 s11;
	[sflag:s19] =	ssyncadd.s32 @!p1 $0xFFFFC000  }
0x25: {  	s11 =	smov.u32 s18;
	s13 =	sadd.s32 $0x1, s13;
	s12 =	smov.u32 s20  }
.LBB1_1:
0x26: {  	p1 =	sge.u32 s13, s7;
	s31 =	sadd.s32 $0xFFFFFFFF, s13  }
0x27: {  	s17 =	sxor.u32 @!p1 $0xFFFFFFFF, s13;
	s18 =	sand.u32 @!p1 $0x78, s10;
	s19 =	sshll.u32 @!p1 s11, $0xD  }
0x28: {  	s20 =	sshll.u32 @!p1 s11, $0x7;
	s21 =	sshll.u32 @!p1 s10, $0x3;
	s17 =	sshll.u32 @!p1 s17, $0xE  }
0x29: {  	s19 =	sand.u32 @!p1 $0x7F0000, s19;
	s20 =	sand.u32 @!p1 $0x380, s20;
	s17 =	sand.u32 @!p1 $0x4000, s17  }
0x2a: {  	s19 =	sadd.s32 @!p1 s19, s21;
	s21 =	sand.u32 @!p1 $0x1C00, s21;
	s18 =	sor.u32 @!p1 s20, s18  }
0x2b: {  	s20 =	sshll.u32 @!p1 s12, $0x14;
	s18 =	sor.u32 @!p1 s21, s18;
	s19 =	sshrl.u32 @!p1 s19, $0x3  }
0x2c: {  	s20 =	sadd.s32 @!p1 s3, s20;
	s21 =	sand.u32 @!p1 $0x7, s10;
	s19 =	sand.u32 @!p1 $0xFFC00, s19  }
0x2d: {  	s18 =	sshrl.u32 @!p1 s18, $0x3;
	s19 =	sadd.s32 @!p1 s19, s20;
	s20 =	sshll.u32 @!p1 s21, $0x12  }
0x2e: {  	s18 =	sadd.s32 @!p1 s18, s19;
	s19 =	sor.u32 @!p1 $0x400, s20;
	s20 =	simm.s32 @!p1 $0x10000  }
0x2f: {  	[tilespmem:s17], [sflag:$0x1] =	stream.strided.gather @!p1 [hbm4b:s18+s19], $0x4000, s20, s19, $0x38;
	[tilespmem:$0x10100] =	vst v63  }
0x30: {  	p1 =	sge.u32 s31, s7  }
.Ltmp2:
0x31: {  	_ = 	snop;
	(pc) =	sbr.rel @p1 .LBB1_5-.Ltmp2, $1  }
0x32: {  	_ =	sdelay $0x3  }
0x33: {  	s17 =	simm.s32 $0x1  }
0x34: {  	_ =	swait.ge [sflag:s6], $0x4000;
	s17 =	simm.s32 @!p0 $0x0  }
0x35: {  	[sflag:s6] =	ssyncset.done $0x0;
	s18 =	sshll.u32 s17, $0xE  }
0x36: {  	[sflag:s6] =	ssyncadd.s32 $0xFFFFC000;
	s20 =	sor.u32 $0x40, s18  }
0x37: {  	s17 =	smul.u32 $0x10200, s17;
	v0 =	vld [tilespmem:s20+$0x30]  }
0x38: {  	v3 =	vld [tilespmem:s20+$0xFFFFFFD0]  }
0x39: {  	s17 =	sshrl.u32 s17, $0x2;
	v4 =	vld [tilespmem:s20+$0xFFFFFFE0]  }
0x3a: {  	v5 =	vld [tilespmem:s20+$0xFFFFFFF0];
	s18 =	sor.u32 $0x8000, s17  }
0x3b: {  	s31 =	sand.u32 $0x1, s13;
	v1 =	vld [tilespmem:s20+$0x0];
	s19 =	sadd.s32 $0x0, s18  }
0x3c: {  	v2 =	vld [tilespmem:s20+$0x10];
	s17 =	smul.u32 $0x10200, s31;
	[tilespmem:s19+$0x3870 ss:$0x81] =	vst.msk $0xffff, v0  }
0x3d: {  	[tilespmem:s19+$0x810 ss:$0x81] =	vst.msk $0xffff, v3;
	v3 =	vld [tilespmem:s20+$0x20]  }
0x3e: {  	s17 =	sshrl.u32 s17, $0x2;
	v0 =	vld [tilespmem:s20+$0xFFFFFFC0];
	[tilespmem:s19+$0x1020 ss:$0x81] =	vst.msk $0xffff, v4;
	s20 =	sadd.s32 $0x80, s20  }
0x3f: {  	s21 =	simm.s32 $0x4;
	s22 =	simm.s32 $0x8;
	s17 =	sor.u32 $0x8000, s17;
	[tilespmem:s19+$0x1830 ss:$0x81] =	vst.msk $0xffff, v5;
	v4 =	vld [tilespmem:s20+$0x30]  }
.LBB1_3:
0x40: {  	p1 =	sne.s32 s22, $0x1FC;
	v5 =	vld [tilespmem:s20+$0xFFFFFFD0];
	[tilespmem:s19+$0x2040 ss:$0x81] =	vst.msk $0xffff, v1  }
0x41: {  	v6 =	vld [tilespmem:s20+$0xFFFFFFE0];
	[tilespmem:s19+$0x2850 ss:$0x81] =	vst.msk $0xffff, v2  }
0x42: {  	s23 =	sshra.s32 s21, $0x2;
	s21 =	smov.u32 s22;
	v7 =	vld [tilespmem:s20+$0xFFFFFFF0];
	[tilespmem:s19+$0x3060 ss:$0x81] =	vst.msk $0xffff, v3  }
.Ltmp3:
0x43: {  	v1 =	vld [tilespmem:s20+$0x0];
	[tilespmem:s19+$0x0 ss:$0x81] =	vst.msk $0xffff, v0;
	s19 =	sadd.s32 s23, s18;
	(pc) =	sbr.rel @p1 .LBB1_3-.Ltmp3, $4  }
0x44: {  	v2 =	vld [tilespmem:s20+$0x10];
	[tilespmem:s19+$0x3870 ss:$0x81] =	vst.msk $0xffff, v4  }
0x45: {  	[tilespmem:s19+$0x810 ss:$0x81] =	vst.msk $0xffff, v5;
	v3 =	vld [tilespmem:s20+$0x20]  }
0x46: {  	v0 =	vld [tilespmem:s20+$0xFFFFFFC0];
	[tilespmem:s19+$0x1020 ss:$0x81] =	vst.msk $0xffff, v6;
	s20 =	sadd.s32 $0x80, s20  }
0x47: {  	s22 =	sadd.s32 $0x4, s22;
	v4 =	vld [tilespmem:s20+$0x30];
	[tilespmem:s19+$0x1830 ss:$0x81] =	vst.msk $0xffff, v7  }
.Ltmp4:
0x48: {  	_ = 	snop;
	(pc) =	sbr.rel .LBB1_4-.Ltmp4, $1  }
0x49: {  	_ =	sdelay $0x3  }
.LBB1_6:
0x4a: {  	_ =	sfence.sel $0x180000  }
0x4b: {  	s2 =	simm.s32 $0x1;
	[bflag:$0x0] =	sbarrier.arrive $0xFFFF  }
0x4c: {  	s31 =	simm.s32 $0x2;
	[sflag:s2] =	ssyncpa.u1 $0x1  }
0x4d: {  	[sflag:s31] =	ssyncpa.u1 $0x1  }
0x4e: {  	p0 =	sne.s32 s0, $0x0;
	_ =	strace $0x9000004A  }
0x4f: {  	s0 =	sadd.s32 @!p0 $0x100000, s1;
	[bflag:$0x2] =	sbarrier.arrive $0xFFFF  }
0x50: {  	[sflag:s0] =	ssyncadd.tile.s32 @!p0 $0x1;
	_ =	shalt  }
.Lfunc_end1:
_tile_overlayer_lowered:
.L_overlay_start_2:
0x51: {  	(tag) =	ssettag $0x2  }
0x52: {  	s0 =	rddreg [dreg:$0x0];
	s2 =	stileid.u32  }
0x53: {  	s1 =	rddreg [dreg:$0x1];
	p0 =	sne.s32 s2, $0x0  }
0x54: {  	s3 =	rddreg [dreg:$0x2];
	[bflag:$0x3] =	sbarrier.arrive $0xFFFF;
	s2 =	simm.s32 @!p0 $0x1C01  }
0x55: {  	[timem:s3], [sflag:s2] =	dma.local @!p0 [hbm:s0], s1  }
0x56: {  	s0 =	simm.s32 @!p0 $0x1  }
0x57: {  	_ =	swait.ge @!p0 [sflag:s0], s1  }
0x58: {  	s1 =	ssub.s32 @!p0 $0x0, s1;
	[sflag:s0] =	ssyncset.done @!p0 $0x0  }
0x59: {  	[sflag:s0] =	ssyncadd.s32 @!p0 s1  }
0x5a: {  	[bflag:$0x3] =	sbarrier.arrive $0xFFFF  }
0x5b: {  	_ =	shalt  }

</sc_bundles>
